<compile_context>
chip_gen: v7x
topology: tpu7x:2x2x1
jax: 0.10.2.dev20260603
libtpu: 0.0.44.dev20260713+nightly
codegen_flags: <defaults>
</compile_context>

<pallas_src>
import functools

import jax
import jax.numpy as jnp
from jax import lax
from jax.experimental import pallas as pl
from jax.experimental.pallas import tpu as pltpu
from jax.experimental.pallas import tpu_sc as plsc

D = 16
NC = 2
NS = 16
NW = NC * NS
L = 16
R_CONST = 2.0
T_CONST = 1.0


def _tc_precompute_body(h_ref, wa_ref, wb_ref, bd_ref, u_ref, v_ref):
    h = h_ref[...]
    nrm = jnp.sqrt(jnp.sum(h * h, axis=1, keepdims=True))
    hn = h / (nrm + 1e-12)
    u_ref[...] = jnp.dot(hn, wa_ref[...], preferred_element_type=jnp.float32)
    v_ref[...] = (
        jnp.dot(hn, wb_ref[...], preferred_element_type=jnp.float32)
        + bd_ref[0:1, :]
    )


@functools.lru_cache(maxsize=None)
def _make_tc_precompute(n_nodes: int):
    rows = 10000
    assert n_nodes % rows == 0
    grid = n_nodes // rows
    return pl.pallas_call(
        _tc_precompute_body,
        grid=(grid,),
        in_specs=[
            pl.BlockSpec((rows, D), lambda i: (i, 0)),
            pl.BlockSpec((D, D), lambda i: (0, 0)),
            pl.BlockSpec((D, D), lambda i: (0, 0)),
            pl.BlockSpec((8, D), lambda i: (0, 0)),
        ],
        out_specs=[
            pl.BlockSpec((rows, D), lambda i: (i, 0)),
            pl.BlockSpec((rows, D), lambda i: (i, 0)),
        ],
        out_shape=[
            jax.ShapeDtypeStruct((n_nodes, D), jnp.float32),
            jax.ShapeDtypeStruct((n_nodes, D), jnp.float32),
        ],
    )


@functools.lru_cache(maxsize=None)
def _make_sc_edges(n_edges: int, chunk: int):
    assert n_edges % NW == 0
    epw = n_edges // NW
    assert epw % chunk == 0 and chunk % L == 0
    nchunk = epw // chunk
    mesh = plsc.VectorSubcoreMesh(
        core_axis_name="c", subcore_axis_name="s", num_cores=NC, num_subcores=NS
    )

    @functools.partial(
        pl.kernel,
        mesh=mesh,
        out_type=jax.ShapeDtypeStruct((n_edges,), jnp.float32),
        scratch_types=[
            pltpu.VMEM((chunk,), jnp.int32),
            pltpu.VMEM((chunk,), jnp.int32),
            pltpu.VMEM((chunk, D), jnp.float32),
            pltpu.VMEM((chunk, D), jnp.float32),
            pltpu.VMEM((chunk,), jnp.float32),
            pltpu.SemaphoreType.DMA,
        ],
        compiler_params=pltpu.CompilerParams(
            needs_layout_passes=False, use_tc_tiling_on_sc=False
        ),
    )
    def edge_kernel(u_hbm, v_hbm, src_hbm, dst_hbm, out_hbm,
                    src_v, dst_v, urows, vrows, out_v, sem):
        wid = lax.axis_index("s") * NC + lax.axis_index("c")
        base = wid * epw
        lane = lax.iota(jnp.int32, L)

        def chunk_body(g, carry):
            off = base + g * chunk
            pltpu.sync_copy(src_hbm.at[pl.ds(off, chunk)], src_v)
            pltpu.sync_copy(dst_hbm.at[pl.ds(off, chunk)], dst_v)
            cu = pltpu.async_copy(u_hbm.at[src_v], urows, sem)
            cv = pltpu.async_copy(v_hbm.at[dst_v], vrows, sem)
            cu.wait()
            cv.wait()

            def group_body(t, carry2):
                e0 = t * L
                rows = e0 + lane
                acc = jnp.zeros((L,), jnp.float32)
                for d in range(D):
                    dv = jnp.full((L,), d, jnp.int32)
                    xu = plsc.load_gather(urows, [rows, dv])
                    xv = plsc.load_gather(vrows, [rows, dv])
                    s = xu + xv
                    acc = acc + s * s
                z = (acc - R_CONST) / T_CONST
                z = jnp.minimum(jnp.maximum(z, -50.0), 50.0)
                p = 1.0 / (jnp.exp(z) + 1.0)
                out_v[pl.ds(e0, L)] = p
                return carry2

            lax.fori_loop(0, chunk // L, group_body, 0, unroll=False)
            pltpu.sync_copy(out_v, out_hbm.at[pl.ds(off, chunk)])
            return carry

        lax.fori_loop(0, nchunk, chunk_body, 0, unroll=False)

    return edge_kernel


def kernel(h, idx, W, b):
    n_nodes = h.shape[0]
    n_edges = idx.shape[0]
    wd = W[:16, :] - W[16:, :]
    wa = wd[:, :16].T
    wb = wd[:, 16:].T
    bd = b[:16] - b[16:]
    bd8 = jnp.tile(bd[None, :], (8, 1))
    u, v = _make_tc_precompute(n_nodes)(h, wa, wb, bd8)
    src = idx[:, 0]
    dst = idx[:, 1]
    return _make_sc_edges(n_edges, 2000)(u, v, src, dst)

# --- scband reference (transcript-rebuilt; emitter-appended) ---
"""Pipeline reference for scband-advncmodel-22703197127327 (READ-ONLY COPY).

The authoritative reference and input builder live on the scoring server;
editing this copy changes nothing except your own understanding.
"""

import jax, jax.numpy as jnp
import numpy as np

N = 100000
E = 3200000
D = 16
R = 2.0
T = 1.0


def setup_inputs(seed: int = 0) -> dict:
    key = jax.random.key(seed)
    k1, k2, k3, k4 = jax.random.split(key, 4)
    h = jax.random.normal(k1, (N, D), dtype=jnp.float32)
    idx = jax.random.randint(k2, (E, 2), 0, N, dtype=jnp.int32)
    # subnet: nn.Linear(32, 32)
    bound = 1.0 / np.sqrt(32.0)
    W = jax.random.uniform(k3, (32, 32), dtype=jnp.float32, minval=-bound, maxval=bound)
    b = jax.random.uniform(k4, (32,), dtype=jnp.float32, minval=-bound, maxval=bound)
    return {"h": h, "idx": idx, "W": W, "b": b}


def reference(h, idx, W, b):
    # ADVNCModel.decode1 with Euclidean manifold
    # Euclidean.normalize: row-wise L2 normalization of embeddings
    hn = h / (jnp.linalg.norm(h, axis=1, keepdims=True) + 1e-12)
    emb_in = jnp.take(hn, idx[:, 0], axis=0)   # gather [E, 16]
    emb_out = jnp.take(hn, idx[:, 1], axis=0)  # gather [E, 16]
    emb = jnp.concatenate([emb_in, emb_out], axis=1)  # [E, 32]
    weights = emb @ W.T + b                    # subnet forward [E, 32]
    weighed_in = weights[:, :16]
    weighed_out = weights[:, 16:]
    # Euclidean.sqdist(p1, p2, c) = sum((p1 - p2)^2, dim=-1)
    sqdist = jnp.sum((weighed_in - weighed_out) ** 2, axis=-1)  # [E]
    # FermiDiracDecoder: probs = 1 / (exp((sqdist - r) / t) + 1)
    probs = 1.0 / (jnp.exp(jnp.clip((sqdist - R) / T, -50.0, 50.0)) + 1.0)
    return probs

if __name__ == "__main__":
    import jax
    _d = setup_inputs()
    print(jax.jit(kernel)(*tuple(_d.values())))

</pallas_src>

<mosaic_0001>
#map = affine_map<(d0, d1) -> (0, 0)>
#map1 = affine_map<(d0, d1) -> (0)>
module attributes {stable_mosaic.version = 14 : i64} {
  func.func @edge_kernel(%arg0: i32, %arg1: i32, %arg2: memref<100000x16xf32, #tpu.memory_space<hbm>>, %arg3: memref<100000x16xf32, #tpu.memory_space<hbm>>, %arg4: memref<3200000xi32, #tpu.memory_space<hbm>>, %arg5: memref<3200000xi32, #tpu.memory_space<hbm>>, %arg6: memref<3200000xf32, #tpu.memory_space<hbm>>, %arg7: memref<2000xi32, #tpu.memory_space<vmem>>, %arg8: memref<2000xi32, #tpu.memory_space<vmem>>, %arg9: memref<2000x16xf32, #tpu.memory_space<vmem>>, %arg10: memref<2000x16xf32, #tpu.memory_space<vmem>>, %arg11: memref<2000xf32, #tpu.memory_space<vmem>>, %arg12: memref<!tpu.dma_semaphore, #tpu.memory_space<semaphore_mem>>) attributes {dimension_semantics = [#tpu.dimension_semantics<core_parallel>, #tpu.dimension_semantics<subcore_parallel>], iteration_bounds = array<i64: 2, 16>, scalar_prefetch = 0 : i64, scratch_operands = 6 : i64, tpu.core_type = #tpu.core_type<sc_vector_subcore>, window_params = [{transform_indices = #map}, {transform_indices = #map}, {transform_indices = #map1}, {transform_indices = #map1}, {transform_indices = #map1}]} {
    %mul3A = arith.constant 2 : i32
    %mul3A_0 = arith.muli %arg1, %mul3A : i32
    %add3A = arith.addi %mul3A_0, %arg0 : i32
    %mul3A_1 = arith.constant 100000 : i32
    %mul3A_2 = arith.muli %add3A, %mul3A_1 : i32
    %iota3A = tpu.iota {dimensions = array<i32: 0>} : vector<16xi32>
    %scan3A = arith.constant 0 : i32
    %scan3A_3 = arith.constant 0 : i32
    %scan3A_4 = arith.constant 50 : i32
    %scan3A_5 = arith.addi %scan3A_3, %scan3A_4 : i32
    %scan3A_6 = arith.constant 1 : i32
    scf.for %scan3A_8 = %scan3A_3 to %scan3A_5 step %scan3A_6  : i32 {
      %mul3A_9 = arith.constant 2000 : i32
      %mul3A_10 = arith.muli %scan3A_8, %mul3A_9 : i32
      %add3A_11 = arith.addi %mul3A_2, %mul3A_10 : i32
      "tpu.region"() ({
        %run_scoped3A = tpu.sem_alloc : memref<!tpu.dma_semaphore, #tpu.memory_space<semaphore_mem>>
        %dma_start3A_28 = tpu.memref_slice %arg4[%add3A_11] : memref<3200000xi32, #tpu.memory_space<hbm>> -> memref<2000xi32, #tpu.memory_space<hbm>>
        %dma_start3A_29 = tpu.memref_slice %arg4[%add3A_11] : memref<3200000xi32, #tpu.memory_space<hbm>> -> memref<2000xi32, #tpu.memory_space<hbm>>
        tpu.enqueue_dma source(%dma_start3A_29 : memref<2000xi32, #tpu.memory_space<hbm>>) target(%arg7 : memref<2000xi32, #tpu.memory_space<vmem>>) target_semaphore(%run_scoped3A : memref<!tpu.dma_semaphore, #tpu.memory_space<semaphore_mem>>)
        %dma_wait3A_30 = tpu.memref_slice %arg4[%add3A_11] : memref<3200000xi32, #tpu.memory_space<hbm>> -> memref<2000xi32, #tpu.memory_space<hbm>>
        %dma_wait3A_31 = tpu.memref_slice %arg4[%add3A_11] : memref<3200000xi32, #tpu.memory_space<hbm>> -> memref<2000xi32, #tpu.memory_space<hbm>>
        tpu.wait_dma2 semaphore(%run_scoped3A : memref<!tpu.dma_semaphore, #tpu.memory_space<semaphore_mem>>) src(%dma_wait3A_31 : memref<2000xi32, #tpu.memory_space<hbm>>) dst(%arg7 : memref<2000xi32, #tpu.memory_space<vmem>>)
        tpu.yield
      }) : () -> ()
      "tpu.region"() ({
        %run_scoped3A = tpu.sem_alloc : memref<!tpu.dma_semaphore, #tpu.memory_space<semaphore_mem>>
        %dma_start3A_28 = tpu.memref_slice %arg5[%add3A_11] : memref<3200000xi32, #tpu.memory_space<hbm>> -> memref<2000xi32, #tpu.memory_space<hbm>>
        %dma_start3A_29 = tpu.memref_slice %arg5[%add3A_11] : memref<3200000xi32, #tpu.memory_space<hbm>> -> memref<2000xi32, #tpu.memory_space<hbm>>
        tpu.enqueue_dma source(%dma_start3A_29 : memref<2000xi32, #tpu.memory_space<hbm>>) target(%arg8 : memref<2000xi32, #tpu.memory_space<vmem>>) target_semaphore(%run_scoped3A : memref<!tpu.dma_semaphore, #tpu.memory_space<semaphore_mem>>)
        %dma_wait3A_30 = tpu.memref_slice %arg5[%add3A_11] : memref<3200000xi32, #tpu.memory_space<hbm>> -> memref<2000xi32, #tpu.memory_space<hbm>>
        %dma_wait3A_31 = tpu.memref_slice %arg5[%add3A_11] : memref<3200000xi32, #tpu.memory_space<hbm>> -> memref<2000xi32, #tpu.memory_space<hbm>>
        tpu.wait_dma2 semaphore(%run_scoped3A : memref<!tpu.dma_semaphore, #tpu.memory_space<semaphore_mem>>) src(%dma_wait3A_31 : memref<2000xi32, #tpu.memory_space<hbm>>) dst(%arg8 : memref<2000xi32, #tpu.memory_space<vmem>>)
        tpu.yield
      }) : () -> ()
      %dma_start3A = arith.constant 0 : i32
      %dma_start3A_12 = arith.constant 0 : i32
      %dma_start3A_13 = tpu.memref_slice %arg2[%dma_start3A, %dma_start3A_12] : memref<100000x16xf32, #tpu.memory_space<hbm>> -> memref<100000x16xf32, #tpu.memory_space<hbm>>
      tpu.enqueue_indirect_dma source(%dma_start3A_13 : memref<100000x16xf32, #tpu.memory_space<hbm>>) target(%arg9 : memref<2000x16xf32, #tpu.memory_space<vmem>>) offsets(%arg7 : memref<2000xi32, #tpu.memory_space<vmem>>) semaphore(%arg12 : memref<!tpu.dma_semaphore, #tpu.memory_space<semaphore_mem>>)
      %dma_start3A_14 = arith.constant 0 : i32
      %dma_start3A_15 = arith.constant 0 : i32
      %dma_start3A_16 = tpu.memref_slice %arg3[%dma_start3A_14, %dma_start3A_15] : memref<100000x16xf32, #tpu.memory_space<hbm>> -> memref<100000x16xf32, #tpu.memory_space<hbm>>
      tpu.enqueue_indirect_dma source(%dma_start3A_16 : memref<100000x16xf32, #tpu.memory_space<hbm>>) target(%arg10 : memref<2000x16xf32, #tpu.memory_space<vmem>>) offsets(%arg8 : memref<2000xi32, #tpu.memory_space<vmem>>) semaphore(%arg12 : memref<!tpu.dma_semaphore, #tpu.memory_space<semaphore_mem>>)
      %dma_wait3A = arith.constant 0 : i32
      %dma_wait3A_17 = arith.constant 0 : i32
      %dma_wait3A_18 = tpu.memref_slice %arg2[%dma_wait3A, %dma_wait3A_17] : memref<100000x16xf32, #tpu.memory_space<hbm>> -> memref<100000x16xf32, #tpu.memory_space<hbm>>
      tpu.wait_indirect_dma semaphore(%arg12 : memref<!tpu.dma_semaphore, #tpu.memory_space<semaphore_mem>>) src(%dma_wait3A_18 : memref<100000x16xf32, #tpu.memory_space<hbm>>) dst(%arg9 : memref<2000x16xf32, #tpu.memory_space<vmem>>)
      %dma_wait3A_19 = arith.constant 0 : i32
      %dma_wait3A_20 = arith.constant 0 : i32
      %dma_wait3A_21 = tpu.memref_slice %arg3[%dma_wait3A_19, %dma_wait3A_20] : memref<100000x16xf32, #tpu.memory_space<hbm>> -> memref<100000x16xf32, #tpu.memory_space<hbm>>
      tpu.wait_indirect_dma semaphore(%arg12 : memref<!tpu.dma_semaphore, #tpu.memory_space<semaphore_mem>>) src(%dma_wait3A_21 : memref<100000x16xf32, #tpu.memory_space<hbm>>) dst(%arg10 : memref<2000x16xf32, #tpu.memory_space<vmem>>)
      %scan3A_22 = arith.constant 0 : i32
      %scan3A_23 = arith.constant 0 : i32
      %scan3A_24 = arith.constant 125 : i32
      %scan3A_25 = arith.addi %scan3A_23, %scan3A_24 : i32
      %scan3A_26 = arith.constant 1 : i32
      scf.for %scan3A_28 = %scan3A_23 to %scan3A_25 step %scan3A_26  : i32 {
        %mul3A_29 = arith.constant 16 : i32
        %mul3A_30 = arith.muli %scan3A_28, %mul3A_29 : i32
        %add3A_31 = vector.broadcast %mul3A_30 : i32 to vector<16xi32>
        %add3A_32 = arith.addi %add3A_31, %iota3A : vector<16xi32>
        %broadcast_in_dim3A = arith.constant 0.000000e+00 : f32
        %broadcast_in_dim3A_33 = vector.broadcast %broadcast_in_dim3A : f32 to vector<16xf32>
        %broadcast_in_dim3A_34 = arith.constant 0 : i32
        %broadcast_in_dim3A_35 = vector.broadcast %broadcast_in_dim3A_34 : i32 to vector<16xi32>
        %gather3A = tpu.vector_load_idx %arg9[%add3A_32, %broadcast_in_dim3A_35] : memref<2000x16xf32, #tpu.memory_space<vmem>>[vector<16xi32>, vector<16xi32>], vector<16xf32>,
        %gather3A_36 = tpu.vector_load_idx %arg10[%add3A_32, %broadcast_in_dim3A_35] : memref<2000x16xf32, #tpu.memory_space<vmem>>[vector<16xi32>, vector<16xi32>], vector<16xf32>,
        %add3A_37 = arith.addf %gather3A, %gather3A_36 : vector<16xf32>
        %mul3A_38 = arith.mulf %add3A_37, %add3A_37 : vector<16xf32>
        %add3A_39 = arith.addf %broadcast_in_dim3A_33, %mul3A_38 : vector<16xf32>
        %broadcast_in_dim3A_40 = arith.constant 1 : i32
        %broadcast_in_dim3A_41 = vector.broadcast %broadcast_in_dim3A_40 : i32 to vector<16xi32>
        %gather3A_42 = tpu.vector_load_idx %arg9[%add3A_32, %broadcast_in_dim3A_41] : memref<2000x16xf32, #tpu.memory_space<vmem>>[vector<16xi32>, vector<16xi32>], vector<16xf32>,
        %gather3A_43 = tpu.vector_load_idx %arg10[%add3A_32, %broadcast_in_dim3A_41] : memref<2000x16xf32, #tpu.memory_space<vmem>>[vector<16xi32>, vector<16xi32>], vector<16xf32>,
        %add3A_44 = arith.addf %gather3A_42, %gather3A_43 : vector<16xf32>
        %mul3A_45 = arith.mulf %add3A_44, %add3A_44 : vector<16xf32>
        %add3A_46 = arith.addf %add3A_39, %mul3A_45 : vector<16xf32>
        %broadcast_in_dim3A_47 = arith.constant 2 : i32
        %broadcast_in_dim3A_48 = vector.broadcast %broadcast_in_dim3A_47 : i32 to vector<16xi32>
        %gather3A_49 = tpu.vector_load_idx %arg9[%add3A_32, %broadcast_in_dim3A_48] : memref<2000x16xf32, #tpu.memory_space<vmem>>[vector<16xi32>, vector<16xi32>], vector<16xf32>,
        %gather3A_50 = tpu.vector_load_idx %arg10[%add3A_32, %broadcast_in_dim3A_48] : memref<2000x16xf32, #tpu.memory_space<vmem>>[vector<16xi32>, vector<16xi32>], vector<16xf32>,
        %add3A_51 = arith.addf %gather3A_49, %gather3A_50 : vector<16xf32>
        %mul3A_52 = arith.mulf %add3A_51, %add3A_51 : vector<16xf32>
        %add3A_53 = arith.addf %add3A_46, %mul3A_52 : vector<16xf32>
        %broadcast_in_dim3A_54 = arith.constant 3 : i32
        %broadcast_in_dim3A_55 = vector.broadcast %broadcast_in_dim3A_54 : i32 to vector<16xi32>
        %gather3A_56 = tpu.vector_load_idx %arg9[%add3A_32, %broadcast_in_dim3A_55] : memref<2000x16xf32, #tpu.memory_space<vmem>>[vector<16xi32>, vector<16xi32>], vector<16xf32>,
        %gather3A_57 = tpu.vector_load_idx %arg10[%add3A_32, %broadcast_in_dim3A_55] : memref<2000x16xf32, #tpu.memory_space<vmem>>[vector<16xi32>, vector<16xi32>], vector<16xf32>,
        %add3A_58 = arith.addf %gather3A_56, %gather3A_57 : vector<16xf32>
        %mul3A_59 = arith.mulf %add3A_58, %add3A_58 : vector<16xf32>
        %add3A_60 = arith.addf %add3A_53, %mul3A_59 : vector<16xf32>
        %broadcast_in_dim3A_61 = arith.constant 4 : i32
        %broadcast_in_dim3A_62 = vector.broadcast %broadcast_in_dim3A_61 : i32 to vector<16xi32>
        %gather3A_63 = tpu.vector_load_idx %arg9[%add3A_32, %broadcast_in_dim3A_62] : memref<2000x16xf32, #tpu.memory_space<vmem>>[vector<16xi32>, vector<16xi32>], vector<16xf32>,
        %gather3A_64 = tpu.vector_load_idx %arg10[%add3A_32, %broadcast_in_dim3A_62] : memref<2000x16xf32, #tpu.memory_space<vmem>>[vector<16xi32>, vector<16xi32>], vector<16xf32>,
        %add3A_65 = arith.addf %gather3A_63, %gather3A_64 : vector<16xf32>
        %mul3A_66 = arith.mulf %add3A_65, %add3A_65 : vector<16xf32>
        %add3A_67 = arith.addf %add3A_60, %mul3A_66 : vector<16xf32>
        %broadcast_in_dim3A_68 = arith.constant 5 : i32
        %broadcast_in_dim3A_69 = vector.broadcast %broadcast_in_dim3A_68 : i32 to vector<16xi32>
        %gather3A_70 = tpu.vector_load_idx %arg9[%add3A_32, %broadcast_in_dim3A_69] : memref<2000x16xf32, #tpu.memory_space<vmem>>[vector<16xi32>, vector<16xi32>], vector<16xf32>,
        %gather3A_71 = tpu.vector_load_idx %arg10[%add3A_32, %broadcast_in_dim3A_69] : memref<2000x16xf32, #tpu.memory_space<vmem>>[vector<16xi32>, vector<16xi32>], vector<16xf32>,
        %add3A_72 = arith.addf %gather3A_70, %gather3A_71 : vector<16xf32>
        %mul3A_73 = arith.mulf %add3A_72, %add3A_72 : vector<16xf32>
        %add3A_74 = arith.addf %add3A_67, %mul3A_73 : vector<16xf32>
        %broadcast_in_dim3A_75 = arith.constant 6 : i32
        %broadcast_in_dim3A_76 = vector.broadcast %broadcast_in_dim3A_75 : i32 to vector<16xi32>
        %gather3A_77 = tpu.vector_load_idx %arg9[%add3A_32, %broadcast_in_dim3A_76] : memref<2000x16xf32, #tpu.memory_space<vmem>>[vector<16xi32>, vector<16xi32>], vector<16xf32>,
        %gather3A_78 = tpu.vector_load_idx %arg10[%add3A_32, %broadcast_in_dim3A_76] : memref<2000x16xf32, #tpu.memory_space<vmem>>[vector<16xi32>, vector<16xi32>], vector<16xf32>,
        %add3A_79 = arith.addf %gather3A_77, %gather3A_78 : vector<16xf32>
        %mul3A_80 = arith.mulf %add3A_79, %add3A_79 : vector<16xf32>
        %add3A_81 = arith.addf %add3A_74, %mul3A_80 : vector<16xf32>
        %broadcast_in_dim3A_82 = arith.constant 7 : i32
        %broadcast_in_dim3A_83 = vector.broadcast %broadcast_in_dim3A_82 : i32 to vector<16xi32>
        %gather3A_84 = tpu.vector_load_idx %arg9[%add3A_32, %broadcast_in_dim3A_83] : memref<2000x16xf32, #tpu.memory_space<vmem>>[vector<16xi32>, vector<16xi32>], vector<16xf32>,
        %gather3A_85 = tpu.vector_load_idx %arg10[%add3A_32, %broadcast_in_dim3A_83] : memref<2000x16xf32, #tpu.memory_space<vmem>>[vector<16xi32>, vector<16xi32>], vector<16xf32>,
        %add3A_86 = arith.addf %gather3A_84, %gather3A_85 : vector<16xf32>
        %mul3A_87 = arith.mulf %add3A_86, %add3A_86 : vector<16xf32>
        %add3A_88 = arith.addf %add3A_81, %mul3A_87 : vector<16xf32>
        %broadcast_in_dim3A_89 = arith.constant 8 : i32
        %broadcast_in_dim3A_90 = vector.broadcast %broadcast_in_dim3A_89 : i32 to vector<16xi32>
        %gather3A_91 = tpu.vector_load_idx %arg9[%add3A_32, %broadcast_in_dim3A_90] : memref<2000x16xf32, #tpu.memory_space<vmem>>[vector<16xi32>, vector<16xi32>], vector<16xf32>,
        %gather3A_92 = tpu.vector_load_idx %arg10[%add3A_32, %broadcast_in_dim3A_90] : memref<2000x16xf32, #tpu.memory_space<vmem>>[vector<16xi32>, vector<16xi32>], vector<16xf32>,
        %add3A_93 = arith.addf %gather3A_91, %gather3A_92 : vector<16xf32>
        %mul3A_94 = arith.mulf %add3A_93, %add3A_93 : vector<16xf32>
        %add3A_95 = arith.addf %add3A_88, %mul3A_94 : vector<16xf32>
        %broadcast_in_dim3A_96 = arith.constant 9 : i32
        %broadcast_in_dim3A_97 = vector.broadcast %broadcast_in_dim3A_96 : i32 to vector<16xi32>
        %gather3A_98 = tpu.vector_load_idx %arg9[%add3A_32, %broadcast_in_dim3A_97] : memref<2000x16xf32, #tpu.memory_space<vmem>>[vector<16xi32>, vector<16xi32>], vector<16xf32>,
        %gather3A_99 = tpu.vector_load_idx %arg10[%add3A_32, %broadcast_in_dim3A_97] : memref<2000x16xf32, #tpu.memory_space<vmem>>[vector<16xi32>, vector<16xi32>], vector<16xf32>,
        %add3A_100 = arith.addf %gather3A_98, %gather3A_99 : vector<16xf32>
        %mul3A_101 = arith.mulf %add3A_100, %add3A_100 : vector<16xf32>
        %add3A_102 = arith.addf %add3A_95, %mul3A_101 : vector<16xf32>
        %broadcast_in_dim3A_103 = arith.constant 10 : i32
        %broadcast_in_dim3A_104 = vector.broadcast %broadcast_in_dim3A_103 : i32 to vector<16xi32>
        %gather3A_105 = tpu.vector_load_idx %arg9[%add3A_32, %broadcast_in_dim3A_104] : memref<2000x16xf32, #tpu.memory_space<vmem>>[vector<16xi32>, vector<16xi32>], vector<16xf32>,
        %gather3A_106 = tpu.vector_load_idx %arg10[%add3A_32, %broadcast_in_dim3A_104] : memref<2000x16xf32, #tpu.memory_space<vmem>>[vector<16xi32>, vector<16xi32>], vector<16xf32>,
        %add3A_107 = arith.addf %gather3A_105, %gather3A_106 : vector<16xf32>
        %mul3A_108 = arith.mulf %add3A_107, %add3A_107 : vector<16xf32>
        %add3A_109 = arith.addf %add3A_102, %mul3A_108 : vector<16xf32>
        %broadcast_in_dim3A_110 = arith.constant 11 : i32
        %broadcast_in_dim3A_111 = vector.broadcast %broadcast_in_dim3A_110 : i32 to vector<16xi32>
        %gather3A_112 = tpu.vector_load_idx %arg9[%add3A_32, %broadcast_in_dim3A_111] : memref<2000x16xf32, #tpu.memory_space<vmem>>[vector<16xi32>, vector<16xi32>], vector<16xf32>,
        %gather3A_113 = tpu.vector_load_idx %arg10[%add3A_32, %broadcast_in_dim3A_111] : memref<2000x16xf32, #tpu.memory_space<vmem>>[vector<16xi32>, vector<16xi32>], vector<16xf32>,
        %add3A_114 = arith.addf %gather3A_112, %gather3A_113 : vector<16xf32>
        %mul3A_115 = arith.mulf %add3A_114, %add3A_114 : vector<16xf32>
        %add3A_116 = arith.addf %add3A_109, %mul3A_115 : vector<16xf32>
        %broadcast_in_dim3A_117 = arith.constant 12 : i32
        %broadcast_in_dim3A_118 = vector.broadcast %broadcast_in_dim3A_117 : i32 to vector<16xi32>
        %gather3A_119 = tpu.vector_load_idx %arg9[%add3A_32, %broadcast_in_dim3A_118] : memref<2000x16xf32, #tpu.memory_space<vmem>>[vector<16xi32>, vector<16xi32>], vector<16xf32>,
        %gather3A_120 = tpu.vector_load_idx %arg10[%add3A_32, %broadcast_in_dim3A_118] : memref<2000x16xf32, #tpu.memory_space<vmem>>[vector<16xi32>, vector<16xi32>], vector<16xf32>,
        %add3A_121 = arith.addf %gather3A_119, %gather3A_120 : vector<16xf32>
        %mul3A_122 = arith.mulf %add3A_121, %add3A_121 : vector<16xf32>
        %add3A_123 = arith.addf %add3A_116, %mul3A_122 : vector<16xf32>
        %broadcast_in_dim3A_124 = arith.constant 13 : i32
        %broadcast_in_dim3A_125 = vector.broadcast %broadcast_in_dim3A_124 : i32 to vector<16xi32>
        %gather3A_126 = tpu.vector_load_idx %arg9[%add3A_32, %broadcast_in_dim3A_125] : memref<2000x16xf32, #tpu.memory_space<vmem>>[vector<16xi32>, vector<16xi32>], vector<16xf32>,
        %gather3A_127 = tpu.vector_load_idx %arg10[%add3A_32, %broadcast_in_dim3A_125] : memref<2000x16xf32, #tpu.memory_space<vmem>>[vector<16xi32>, vector<16xi32>], vector<16xf32>,
        %add3A_128 = arith.addf %gather3A_126, %gather3A_127 : vector<16xf32>
        %mul3A_129 = arith.mulf %add3A_128, %add3A_128 : vector<16xf32>
        %add3A_130 = arith.addf %add3A_123, %mul3A_129 : vector<16xf32>
        %broadcast_in_dim3A_131 = arith.constant 14 : i32
        %broadcast_in_dim3A_132 = vector.broadcast %broadcast_in_dim3A_131 : i32 to vector<16xi32>
        %gather3A_133 = tpu.vector_load_idx %arg9[%add3A_32, %broadcast_in_dim3A_132] : memref<2000x16xf32, #tpu.memory_space<vmem>>[vector<16xi32>, vector<16xi32>], vector<16xf32>,
        %gather3A_134 = tpu.vector_load_idx %arg10[%add3A_32, %broadcast_in_dim3A_132] : memref<2000x16xf32, #tpu.memory_space<vmem>>[vector<16xi32>, vector<16xi32>], vector<16xf32>,
        %add3A_135 = arith.addf %gather3A_133, %gather3A_134 : vector<16xf32>
        %mul3A_136 = arith.mulf %add3A_135, %add3A_135 : vector<16xf32>
        %add3A_137 = arith.addf %add3A_130, %mul3A_136 : vector<16xf32>
        %broadcast_in_dim3A_138 = arith.constant 15 : i32
        %broadcast_in_dim3A_139 = vector.broadcast %broadcast_in_dim3A_138 : i32 to vector<16xi32>
        %gather3A_140 = tpu.vector_load_idx %arg9[%add3A_32, %broadcast_in_dim3A_139] : memref<2000x16xf32, #tpu.memory_space<vmem>>[vector<16xi32>, vector<16xi32>], vector<16xf32>,
        %gather3A_141 = tpu.vector_load_idx %arg10[%add3A_32, %broadcast_in_dim3A_139] : memref<2000x16xf32, #tpu.memory_space<vmem>>[vector<16xi32>, vector<16xi32>], vector<16xf32>,
        %add3A_142 = arith.addf %gather3A_140, %gather3A_141 : vector<16xf32>
        %mul3A_143 = arith.mulf %add3A_142, %add3A_142 : vector<16xf32>
        %add3A_144 = arith.addf %add3A_137, %mul3A_143 : vector<16xf32>
        %sub3A = arith.constant 2.000000e+00 : f32
        %sub3A_145 = vector.broadcast %sub3A : f32 to vector<16xf32>
        %sub3A_146 = arith.subf %add3A_144, %sub3A_145 : vector<16xf32>
        %div3A = arith.constant 1.000000e+00 : f32
        %div3A_147 = vector.broadcast %div3A : f32 to vector<16xf32>
        %div3A_148 = arith.divf %sub3A_146, %div3A_147 : vector<16xf32>
        %max3A = arith.constant -5.000000e+01 : f32
        %max3A_149 = vector.broadcast %max3A : f32 to vector<16xf32>
        %max3A_150 = arith.maximumf %div3A_148, %max3A_149 : vector<16xf32>
        %min3A = arith.constant 5.000000e+01 : f32
        %min3A_151 = vector.broadcast %min3A : f32 to vector<16xf32>
        %min3A_152 = arith.minimumf %max3A_150, %min3A_151 : vector<16xf32>
        %exp3A = math.exp %min3A_152 : vector<16xf32>
        %add3A_153 = arith.constant 1.000000e+00 : f32
        %add3A_154 = vector.broadcast %add3A_153 : f32 to vector<16xf32>
        %add3A_155 = arith.addf %exp3A, %add3A_154 : vector<16xf32>
        %div3A_156 = arith.constant 1.000000e+00 : f32
        %div3A_157 = vector.broadcast %div3A_156 : f32 to vector<16xf32>
        %div3A_158 = arith.divf %div3A_157, %add3A_155 : vector<16xf32>
        %swap3A = arith.index_cast %mul3A_30 : i32 to index
        %swap3A_159 = tpu.vector_load %arg11[%swap3A] {strides = array<i32>} : memref<2000xf32, #tpu.memory_space<vmem>>, vector<16xf32>,
        tpu.vector_store %arg11[%swap3A], %div3A_158 {strides = array<i32>} : memref<2000xf32, #tpu.memory_space<vmem>>, vector<16xf32>,
      }
      %scan3A_27 = arith.constant 125 : i32
      "tpu.region"() ({
        %run_scoped3A = tpu.sem_alloc : memref<!tpu.dma_semaphore, #tpu.memory_space<semaphore_mem>>
        %dma_start3A_28 = tpu.memref_slice %arg6[%add3A_11] : memref<3200000xf32, #tpu.memory_space<hbm>> -> memref<2000xf32, #tpu.memory_space<hbm>>
        %dma_start3A_29 = tpu.memref_slice %arg6[%add3A_11] : memref<3200000xf32, #tpu.memory_space<hbm>> -> memref<2000xf32, #tpu.memory_space<hbm>>
        tpu.enqueue_dma source(%arg11 : memref<2000xf32, #tpu.memory_space<vmem>>) target(%dma_start3A_29 : memref<2000xf32, #tpu.memory_space<hbm>>) target_semaphore(%run_scoped3A : memref<!tpu.dma_semaphore, #tpu.memory_space<semaphore_mem>>)
        %dma_wait3A_30 = tpu.memref_slice %arg6[%add3A_11] : memref<3200000xf32, #tpu.memory_space<hbm>> -> memref<2000xf32, #tpu.memory_space<hbm>>
        %dma_wait3A_31 = tpu.memref_slice %arg6[%add3A_11] : memref<3200000xf32, #tpu.memory_space<hbm>> -> memref<2000xf32, #tpu.memory_space<hbm>>
        tpu.wait_dma2 semaphore(%run_scoped3A : memref<!tpu.dma_semaphore, #tpu.memory_space<semaphore_mem>>) src(%arg11 : memref<2000xf32, #tpu.memory_space<vmem>>) dst(%dma_wait3A_31 : memref<2000xf32, #tpu.memory_space<hbm>>)
        tpu.yield
      }) : () -> ()
    }
    %scan3A_7 = arith.constant 50 : i32
    return
  }
}

module attributes {stable_mosaic.version = 14 : i64} {
  func.func @_tc_precompute_body(%arg0: i32, %arg1: memref<10000x16xf32, #tpu.memory_space<vmem>>, %arg2: memref<16x16xf32, #tpu.memory_space<vmem>>, %arg3: memref<16x16xf32, #tpu.memory_space<vmem>>, %arg4: memref<8x16xf32, #tpu.memory_space<vmem>>, %arg5: memref<10000x16xf32, #tpu.memory_space<vmem>>, %arg6: memref<10000x16xf32, #tpu.memory_space<vmem>>) attributes {dimension_semantics = [#tpu.dimension_semantics<arbitrary>], iteration_bounds = array<i64: 10>, scalar_prefetch = 0 : i64, scratch_operands = 0 : i64, tpu.core_type = #tpu.core_type<tc>, window_params = [{transform_indices = @transform_0, window_bounds = array<i64: 10000, 16>}, {pipeline_mode = #tpu.pipeline_mode<synchronous>, transform_indices = @transform_1, window_bounds = array<i64: 16, 16>}, {pipeline_mode = #tpu.pipeline_mode<synchronous>, transform_indices = @transform_2, window_bounds = array<i64: 16, 16>}, {pipeline_mode = #tpu.pipeline_mode<synchronous>, transform_indices = @transform_3, window_bounds = array<i64: 8, 16>}, {transform_indices = @transform_4, window_bounds = array<i64: 10000, 16>}, {transform_indices = @transform_5, window_bounds = array<i64: 10000, 16>}]} {
    %get3A = arith.constant 0 : index
    %get3A_0 = arith.constant 0 : index
    %get3A_1 = vector.load %arg1[%get3A, %get3A_0] : memref<10000x16xf32, #tpu.memory_space<vmem>>, vector<10000x16xf32>
    %mul3A = arith.mulf %get3A_1, %get3A_1 : vector<10000x16xf32>
    %reduce_sum3A = arith.constant dense<0.000000e+00> : vector<10000xf32>
    %reduce_sum3A_2 = vector.multi_reduction <add>, %mul3A, %reduce_sum3A [1] : vector<10000x16xf32> to vector<10000xf32>
    %broadcast_in_dim3A = vector.shape_cast %reduce_sum3A_2 : vector<10000xf32> to vector<10000x1xf32>
    %sqrt3A = math.sqrt %broadcast_in_dim3A : vector<10000x1xf32>
    %add3A = arith.constant 9.99999996E-13 : f32
    %add3A_3 = vector.broadcast %add3A : f32 to vector<10000x1xf32>
    %add3A_4 = arith.addf %sqrt3A, %add3A_3 : vector<10000x1xf32>
    %div3A = vector.broadcast %add3A_4 : vector<10000x1xf32> to vector<10000x16xf32>
    %div3A_5 = arith.divf %get3A_1, %div3A : vector<10000x16xf32>
    %get3A_6 = arith.constant 0 : index
    %get3A_7 = arith.constant 0 : index
    %get3A_8 = vector.load %arg2[%get3A_6, %get3A_7] : memref<16x16xf32, #tpu.memory_space<vmem>>, vector<16x16xf32>
    %dot_general3A = arith.constant dense<0.000000e+00> : vector<10000x16xf32>
    %dot_general3A_9 = tpu.matmul %div3A_5, %get3A_8, %dot_general3A {dimension_numbers = #tpu.dot_dimension_numbers<[1], [0], [0], [1], [0, 0, 1, 1], [], []>, transpose_lhs_hint = false} : vector<10000x16xf32>, vector<16x16xf32>, vector<10000x16xf32> -> vector<10000x16xf32>
    %swap3A = arith.constant 0 : index
    %swap3A_10 = arith.constant 0 : index
    %swap3A_11 = vector.load %arg5[%swap3A, %swap3A_10] : memref<10000x16xf32, #tpu.memory_space<vmem>>, vector<10000x16xf32>
    tpu.vector_store %arg5[%swap3A, %swap3A_10], %dot_general3A_9 {strides = array<i32>} : memref<10000x16xf32, #tpu.memory_space<vmem>>, vector<10000x16xf32>,
    %get3A_12 = arith.constant 0 : index
    %get3A_13 = arith.constant 0 : index
    %get3A_14 = vector.load %arg3[%get3A_12, %get3A_13] : memref<16x16xf32, #tpu.memory_space<vmem>>, vector<16x16xf32>
    %dot_general3A_15 = arith.constant dense<0.000000e+00> : vector<10000x16xf32>
    %dot_general3A_16 = tpu.matmul %div3A_5, %get3A_14, %dot_general3A_15 {dimension_numbers = #tpu.dot_dimension_numbers<[1], [0], [0], [1], [0, 0, 1, 1], [], []>, transpose_lhs_hint = false} : vector<10000x16xf32>, vector<16x16xf32>, vector<10000x16xf32> -> vector<10000x16xf32>
    %get3A_17 = arith.constant 0 : index
    %get3A_18 = arith.constant 0 : index
    %get3A_19 = vector.load %arg4[%get3A_17, %get3A_18] : memref<8x16xf32, #tpu.memory_space<vmem>>, vector<1x16xf32>
    %add3A_20 = vector.broadcast %get3A_19 : vector<1x16xf32> to vector<10000x16xf32>
    %add3A_21 = arith.addf %dot_general3A_16, %add3A_20 : vector<10000x16xf32>
    %swap3A_22 = arith.constant 0 : index
    %swap3A_23 = arith.constant 0 : index
    %swap3A_24 = vector.load %arg6[%swap3A_22, %swap3A_23] : memref<10000x16xf32, #tpu.memory_space<vmem>>, vector<10000x16xf32>
    tpu.vector_store %arg6[%swap3A_22, %swap3A_23], %add3A_21 {strides = array<i32>} : memref<10000x16xf32, #tpu.memory_space<vmem>>, vector<10000x16xf32>,
    return
  }
  func.func @transform_0(%arg0: i32) -> (i32, i32) {
    %c0_i32 = arith.constant 0 : i32
    %c0_i32_0 = arith.constant 0 : i32
    return %arg0, %c0_i32 : i32, i32
  }
  func.func @transform_1(%arg0: i32) -> (i32, i32) {
    %c0_i32 = arith.constant 0 : i32
    %c0_i32_0 = arith.constant 0 : i32
    %c0_i32_1 = arith.constant 0 : i32
    return %c0_i32, %c0_i32_0 : i32, i32
  }
  func.func @transform_2(%arg0: i32) -> (i32, i32) {
    %c0_i32 = arith.constant 0 : i32
    %c0_i32_0 = arith.constant 0 : i32
    %c0_i32_1 = arith.constant 0 : i32
    return %c0_i32, %c0_i32_0 : i32, i32
  }
  func.func @transform_3(%arg0: i32) -> (i32, i32) {
    %c0_i32 = arith.constant 0 : i32
    %c0_i32_0 = arith.constant 0 : i32
    %c0_i32_1 = arith.constant 0 : i32
    return %c0_i32, %c0_i32_0 : i32, i32
  }
  func.func @transform_4(%arg0: i32) -> (i32, i32) {
    %c0_i32 = arith.constant 0 : i32
    %c0_i32_0 = arith.constant 0 : i32
    return %arg0, %c0_i32 : i32, i32
  }
  func.func @transform_5(%arg0: i32) -> (i32, i32) {
    %c0_i32 = arith.constant 0 : i32
    %c0_i32_0 = arith.constant 0 : i32
    return %arg0, %c0_i32 : i32, i32
  }
}

</mosaic_0001>

<sc_bundles>
// kernel: kernel.4.cloned.1.call-start
scs
__scs_entry_jumppad:
0x0: {  	(pc) =	sbr.rel $0x88, $3  }
0x1: {  	(tag) =	ssettag $0x0;
	lr =	simm.s32 $0x1  }
0x2: {  	[smem:$0x3F9D] =	sst lr;
	_ =	strace $0xD0000000  }
0x3: {  	_ = 	snop  }
0x4: {  	_ = 	snop  }
0x5: {  	_ = 	snop  }
0x6: {  	_ = 	snop  }
0x7: {  	_ = 	snop  }
__scs_overlays_trampoline_lowered:
0x8: {  	[smem:$0x3FAC] =	sst s0  }
0x9: {  	[smem:$0x3FAD] =	sst s1  }
0xa: {  	[smem:$0x3FAE] =	sst s2  }
0xb: {  	[smem:$0x3FAF] =	sst s3  }
0xc: {  	[smem:$0x3FB0] =	sst s4  }
0xd: {  	[smem:$0x3FB1] =	sst s5  }
0xe: {  	[smem:$0x3FB2] =	sst s6  }
0xf: {  	[smem:$0x3FB3] =	sst s7  }
0x10: {  	[smem:$0x3FB4] =	sst s8  }
0x11: {  	[smem:$0x3FB5] =	sst s9;
	s0 =	simm.s32 @!p0 $0x0  }
0x12: {  	s1 =	sld [smem:$0x3F9B];
	s0 =	simm.s32 @p0 $0x1  }
0x13: {  	[smem:$0x3FB6] =	sst s0;
	s0 =	simm.s32 @!p1 $0x0  }
0x14: {  	s2 =	sld [smem:$0x3F9A];
	s0 =	simm.s32 @p1 $0x1  }
0x15: {  	[smem:$0x3FB7] =	sst s0;
	s0 =	simm.s32 @!p2 $0x0  }
0x16: {  	s3 =	sld [smem:$0x3FDB];
	s0 =	simm.s32 @p2 $0x1  }
0x17: {  	s4 =	simm.s32 $0x1BF5;
	[smem:$0x3FB9] =	sst s0  }
0x18: {  	s0 =	sld [smem:$0x3F9C];
	_ =	swait.ge [sflag:s4], $0x0  }
0x19: {  	s7 =	sld [smem:$0x3F9D]  }
0x1a: {  	s8 =	sadd.s32 $0xFFFFE003, lr  }
0x1b: {  	s9 =	sadd.s32 $0xFFFFFEF7, lr;
	s5 =	simm.s32 $0xFFFFFFFF;
	p2 =	slt.u32 s8, $0xFFFFF086  }
0x1c: {  	p1 =	slt.u32 s9, $0xF7A;
	s5 =	simm.s32 @!p2 $0x0  }
0x1d: {  	s5 =	simm.s32 @p1 $0x1;
	p0 =	seq.s32 s7, s2  }
0x1e: {  	s7 =	smul.u32 @!p0 $0xF7A, s2;
	p2 =	seq.s32 @!p0 s5, $0x0  }
0x1f: {  	s9 =	smul.u32 $0xF7A, s1;
	s8 =	simm.s32 @!p0 $0x1BF5;
	p2 =	por !p2, p0  }
0x20: {  	[sflag:s8] =	ssyncset.s32 @!p0 $0xFFFFF086;
	s6 =	sadd.s32 @!p0 s3, s7;
	s7 =	simm.s32 @!p0 $0x108  }
0x21: {  	s3 =	sadd.s32 s3, s9;
	s6 =	sadd.s32 @!p0 $0x88, s6;
	s7 =	simm.s32 @p2 $0x1082  }
0x22: {  	[simem:s7], [sflag:s8] =	dma.local @!p0 [hbm:s6], $0xF7A  }
0x23: {  	s9 =	sor.u32 $0xD0000000, s2;
	s6 =	simm.s32 $0x108;
	_ =	swait.ge @!p0 [sflag:s8], $0x0  }
0x24: {  	s3 =	sadd.s32 $0x88, s3;
	s6 =	simm.s32 @!p1 $0x1082;
	[sflag:s4] =	ssyncset.s32 $0xFFFFF086  }
0x25: {  	[simem:s6], [sflag:s4] =	dma.local [hbm:s3], $0xF7A  }
0x26: {  	[smem:$0x3F9D] =	sst s1;
	(tag) =	ssettag s2;
	_ =	strace s9  }
0x27: {  	s1 =	sld [smem:$0x3FAD]  }
0x28: {  	s2 =	sld [smem:$0x3FAE]  }
0x29: {  	s4 =	sld [smem:$0x3FB0]  }
0x2a: {  	p0 =	seq.s32 s5, $0x0;
	s5 =	sld [smem:$0x3FB1]  }
0x2b: {  	s6 =	sld [smem:$0x3FB2]  }
0x2c: {  	s7 =	sld [smem:$0x3FB3]  }
0x2d: {  	s3 =	simm.s32 $0x108;
	s8 =	sld [smem:$0x3FB4]  }
0x2e: {  	s3 =	simm.s32 @!p0 $0x1082;
	s9 =	sld [smem:$0x3FB5]  }
0x2f: {  	lr =	sadd.s32 s0, s3;
	s0 =	sld [smem:$0x3FAC]  }
0x30: {  	s3 =	sld [smem:$0x3FAF]  }
0x31: {  	[smem:$0x3FB8] =	sst s10  }
0x32: {  	s10 =	sld [smem:$0x3FB6];
	_ =	sdelay $0x3  }
0x33: {  	p0 =	seq.s32 s10, $0x1;
	s10 =	sld [smem:$0x3FB8];
	_ =	sdelay $0x3  }
0x34: {  	[smem:$0x3FB8] =	sst s10  }
0x35: {  	s10 =	sld [smem:$0x3FB7];
	_ =	sdelay $0x3  }
0x36: {  	p1 =	seq.s32 s10, $0x1;
	s10 =	sld [smem:$0x3FB8];
	_ =	sdelay $0x3  }
0x37: {  	[smem:$0x3FB8] =	sst s10  }
0x38: {  	s10 =	sld [smem:$0x3FB9]  }
0x39: {  	_ = 	snop;
	(pc) =	sbr.ind lr, $3  }
0x3a: {  	_ = 	snop  }
0x3b: {  	_ = 	snop  }
0x3c: {  	p2 =	seq.s32 s10, $0x1;
	s10 =	sld [smem:$0x3FB8]  }
0x3d: {  	_ =	shalt  }
0x3e: {  	_ =	shalt  }
0x3f: {  	_ =	shalt  }
0x40: {  	_ =	shalt  }
0x41: {  	_ =	shalt  }
0x42: {  	_ =	shalt  }
0x43: {  	_ =	shalt  }
0x44: {  	_ =	shalt  }
0x45: {  	_ =	shalt  }
0x46: {  	_ =	shalt  }
0x47: {  	_ =	shalt  }
0x48: {  	_ =	shalt  }
0x49: {  	_ =	shalt  }
0x4a: {  	_ =	shalt  }
0x4b: {  	_ =	shalt  }
0x4c: {  	_ =	shalt  }
0x4d: {  	_ =	shalt  }
0x4e: {  	_ =	shalt  }
0x4f: {  	_ =	shalt  }
0x50: {  	_ =	shalt  }
0x51: {  	_ =	shalt  }
0x52: {  	_ =	shalt  }
0x53: {  	_ =	shalt  }
0x54: {  	_ =	shalt  }
0x55: {  	_ =	shalt  }
0x56: {  	_ =	shalt  }
0x57: {  	_ =	shalt  }
0x58: {  	_ =	shalt  }
0x59: {  	_ =	shalt  }
0x5a: {  	_ =	shalt  }
0x5b: {  	_ =	shalt  }
0x5c: {  	_ =	shalt  }
0x5d: {  	_ =	shalt  }
0x5e: {  	_ =	shalt  }
0x5f: {  	_ =	shalt  }
0x60: {  	_ =	shalt  }
0x61: {  	_ =	shalt  }
0x62: {  	_ =	shalt  }
0x63: {  	_ =	shalt  }
0x64: {  	_ =	shalt  }
0x65: {  	_ =	shalt  }
0x66: {  	_ =	shalt  }
0x67: {  	_ =	shalt  }
0x68: {  	_ =	shalt  }
0x69: {  	_ =	shalt  }
0x6a: {  	_ =	shalt  }
0x6b: {  	_ =	shalt  }
0x6c: {  	_ =	shalt  }
0x6d: {  	_ =	shalt  }
0x6e: {  	_ =	shalt  }
0x6f: {  	_ =	shalt  }
0x70: {  	_ =	shalt  }
0x71: {  	_ =	shalt  }
0x72: {  	_ =	shalt  }
0x73: {  	_ =	shalt  }
0x74: {  	_ =	shalt  }
0x75: {  	_ =	shalt  }
0x76: {  	_ =	shalt  }
0x77: {  	_ =	shalt  }
0x78: {  	_ =	shalt  }
0x79: {  	_ =	shalt  }
0x7a: {  	_ =	shalt  }
0x7b: {  	_ =	shalt  }
0x7c: {  	_ =	shalt  }
0x7d: {  	_ =	shalt  }
0x7e: {  	_ =	shalt  }
0x7f: {  	_ =	shalt  }
0x80: {  	_ =	shalt  }
0x81: {  	_ =	shalt  }
0x82: {  	_ =	shalt  }
0x83: {  	_ =	shalt  }
0x84: {  	_ =	shalt  }
0x85: {  	_ =	shalt  }
0x86: {  	_ =	shalt  }
0x87: {  	_ =	shalt  }
.Lfunc_end0:
.L_simem_size_0:
called_computation_lowered:
.L_overlay_start_0:
0x88: {  	s2 =	sld [smem:$0x3FD9]  }
0x89: {  	s3 =	sld [smem:$0x3FFE];
	_ =	sdelay $0x1  }
0x8a: {  	s1 =	srdreg.scid  }
0x8b: {  	s0 =	sand.u32 $0x1, s1  }
0x8c: {  	s17 =	sshll.u32 s0, $0xA;
	s2 =	sadd.s32 s3, s2  }
0x8d: {  	s2 =	sadd.s32 s2, s17  }
0x8e: {  	[smem:$0x3FC4] =	sst s2  }
0x8f: {  	_ = 	snop  }
0x90: {  	s2 =	sld [smem:$0x3FD0];
	(tm) =	ssettm $0x1  }
0x91: {  	s18 =	sld [smem:$0x3FFB];
	_ =	sdelay $0x3  }
0x92: {  	_ =	strace s18  }
0x93: {  	s3 =	sld [smem:$0x3FFC];
	_ =	sdelay $0x3  }
0x94: {  	_ =	strace s3  }
0x95: {  	s3 =	sld [smem:$0x3FFD];
	_ =	sdelay $0x3  }
0x96: {  	_ =	strace s3  }
0x97: {  	_ =	strace $0x8FFFFFFF  }
0x98: {  	s19 =	sld [smem:$0x3FDB];
	_ =	sdelay $0x1  }
0x99: {  	s4 =	simm.s32 $_scs_section_size  }
0x9a: {  	s5 =	simm.s32 $_size__tile_overlayer_lowered;
	s6 =	simm.s32 $_tile_overlayer_lowered  }
0x9b: {  	s22 =	simm.s32 $0x1BFF;
	s21 =	sshll.u32 s6, $0x1;
	s3 =	sadd.s32 s4, s19  }
0x9c: {  	s7 =	simm.s32 $0x0;
	s20 =	sshll.u32 s5, $0x1;
	s5 =	sadd.s32 s21, s3  }
0x9d: {  	[timem:s7], [sflag:s22] =	dma.local [hbm:s5], s20  }
0x9e: {  	_ =	swait.ge [sflag:s22], s20  }
0x9f: {  	s4 =	ssub.s32 $0x0, s20;
	[sflag:s22] =	ssyncset.done $0x0  }
0xa0: {  	[sflag:s22] =	ssyncadd.s32 s4;
	_ =	sdelay $0x1  }
0xa1: {  	s23 =	simm.s32 $0x1B8B  }
0xa2: {  	_ =	swait.ge [sflag:s23], $0x1  }
0xa3: {  	[sflag:s23] =	ssyncset.done $0x0  }
0xa4: {  	s25 =	simm.s32 $0x1B8E;
	s24 =	sld [smem:$0x3FFE];
	[sflag:s23] =	ssyncadd.s32 $0xFFFFFFFF  }
0xa5: {  	s26 =	simm.s32 $execute0_lowered;
	[smem:$0x3FD2] =	sst s25  }
0xa6: {  	s5 =	sshll.u32 s26, $0x1;
	_ =	strace $0x80000046;
	[dreg:$0x1] =	wrdreg $0xFFFFFFFF  }
0xa7: {  	s28 =	simm.s32 $_size_execute0_lowered;
	s3 =	sadd.s32 s3, s5;
	[dreg:$0x0] =	wrdreg $0x0  }
0xa8: {  	s5 =	sshll.u32 s28, $0x1;
	[dreg:$0x2] =	wrdreg s3  }
0xa9: {  	[dreg:$0x3] =	wrdreg s5  }
0xaa: {  	[dreg:$0x4] =	wrdreg $0xC0  }
0xab: {  	_ =	task [dreg:s7], $0x5FFFF  }
0xac: {  	[dreg:$0x1] =	wrdreg $0xFFFFFFFF  }
0xad: {  	[dreg:$0x0] =	wrdreg $0x60  }
0xae: {  	[dreg:$0x2] =	wrdreg s24  }
0xaf: {  	[dreg:$0x3] =	wrdreg s2  }
0xb0: {  	[dreg:$0x4] =	wrdreg $0x9  }
0xb1: {  	_ =	task.clear_ibuf [dreg:s7], $0x5FFFF;
	_ =	strace $0x90000046  }
0xb2: {  	s29 =	simm.s32 $0x9;
	_ =	strace $0x80000048  }
0xb3: {  	_ =	swait.ge [sflag:s29], $0x1  }
0xb4: {  	[sflag:s29] =	ssyncadd.s32 $0xFFFFFFFF  }
0xb5: {  	_ =	strace $0x90000048  }
0xb6: {  	_ =	sfence  }
0xb7: {  	s30 =	sld [smem:$0x0];
	_ =	sdelay $0x2  }
0xb8: {  	s31 =	sshll.u32 s1, $0xD;
	s1 =	sshrl.u32 s1, $0x2  }
0xb9: {  	s3 =	sand.u32 $0x4000, s31;
	s1 =	sadd.s32 s1, s30  }
0xba: {  	s0 =	sor.u32 s3, s0;
	s1 =	sshll.u32 s1, $0x11  }
0xbb: {  	s0 =	sor.u32 s1, s0  }
0xbc: {  	s0 =	sadd.s32 $0x8F2B, s0  }
0xbd: {  	[sflag:s0] =	ssyncadd.remote.s32 $0x1  }
0xbe: {  	_ =	sfence.sel $0xFFFF  }
0xbf: {  	[dreg:$0x0] =	wrdreg $0xFFFFFFFF;
	(pc) =	sbr.abs _section_cstart, $3  }
0xc0: {  	[dreg:$0x1] =	wrdreg $0xFFFFFFFF  }
0xc1: {  	_ =	task.clear_ibuf [dreg:s7], $0x2FFFF;
	_ =	strace $0x9FFFFFFF  }
0xc2: {  	(tm) =	ssettm $0x7FFFFFFF  }
0xc3: {  	_ =	shalt  }
tec
execute0_lowered:
.L_overlay_start_1:
0x0: {  	(tag) =	ssettag $0x1  }
0x1: {  	s7 =	rddreg [dreg:$0x0]  }
0x2: {  	s1 =	rddreg [dreg:$0x1]  }
0x3: {  	s0 =	rddreg [dreg:$0x2]  }
0x4: {  	s2 =	simm.s32 $0x0;
	s3 =	srdreg.scid;
	s12 =	simm.s32 $0xFA0  }
0x5: {  	s13 =	simm.s32 $0x8CA0;
	s14 =	simm.s32 $0x1;
	s15 =	simm.s32 $0x109A0  }
0x6: {  	s16 =	simm.s32 $0x0;
	[smem:$0x7FF] =	sst s2;
	s4 =	sadd.s32 $0x33800, s7  }
0x7: {  	s8 =	sand.u32 $0x1, s3;
	s5 =	sadd.s32 $0x2A00, s7;
	s3 =	stileid.u32  }
0x8: {  	s6 =	sadd.s32 $0xC6200, s7;
	s7 =	sadd.s32 $0x64600, s7;
	s9 =	ssub.s32 $0x2, s8  }
0x9: {  	_ =	strace $0x80000047;
	s11 =	sshll.u32 s3, $0x1;
	s10 =	sshrl.u32 s9, $0x1  }
0xa: {  	v0 =	vlaneseq.u32;
	s8 =	sor.u32 s8, s11;
	s11 =	simm.s32 $0x7D0;
	s9 =	ssub.s32 s9, s10  }
0xb: {  	v0 =	vmul.u32 $0x10, v0;
	s8 =	smul.u32 $0x186A0, s8;
	s10 =	simm.s32 $0x2;
	s9 =	smax.u32 s9, $0x1  }
.LBB2_1:
0xc: {  	s17 =	simm.s32 $0x0  }
.LBB2_2:
0xd: {  	s18 =	smul.u32 $0x7D0, s17;
	_ =	sdelay $0x1  }
0xe: {  	s18 =	sadd.s32 s8, s18  }
0xf: {  	s18 =	sshrl.u32 s18, $0x3  }
0x10: {  	s20 =	simm.s32 $0x0;
	s19 =	sadd.s32 s6, s18  }
0x11: {  	[tilespmem:s20], [sflag:$0x2] =	stream.linear.gather [hbm4b:s19+s20], $0x7D0, $0x38;
	[tilespmem:$0x11170] =	vst v63  }
0x12: {  	_ =	swait.ge [sflag:s10], $0x7D0  }
0x13: {  	[sflag:s10] =	ssyncset.done $0x0  }
0x14: {  	s29 =	sadd.s32 s7, s18;
	[sflag:s10] =	ssyncadd.s32 $0xFFFFF830  }
0x15: {  	[tilespmem:s11], [sflag:$0x2] =	stream.linear.gather [hbm4b:s29+s20], $0x7D0, $0x38;
	[tilespmem:$0x11170] =	vst v63  }
0x16: {  	_ =	swait.ge [sflag:s10], $0x7D0  }
0x17: {  	[sflag:s10] =	ssyncset.done $0x0  }
0x18: {  	[sflag:s10] =	ssyncadd.s32 $0xFFFFF830  }
0x19: {  	[tilespmem:s12], [sflag:$0x1] =	stream.indirect.gather [hbm4b:s4+s11], $0x10, s20, s11, $0xb8;
	[tilespmem:$0x11170] =	vst v63  }
0x1a: {  	_ = 	snop  }
0x1b: {  	v1 =	vmov s20;
	[tilespmem:s13], [sflag:$0x1] =	stream.indirect.gather [hbm4b:s5+s11], $0x10, s11, s11, $0xb8;
	[tilespmem:$0x11170] =	vst v63  }
0x1c: {  	v1 =	vshll.u32 v1, $0x4;
	_ =	swait.ge [sflag:s14], $0x7D00  }
0x1d: {  	v1 =	vor.u32 v0, v1;
	[sflag:s14] =	ssyncset.done $0x0  }
0x1e: {  	[sflag:s14] =	ssyncadd.s32 $0xFFFF8300  }
0x1f: {  	v2 =	vor.u32 $0x1, v1;
	_ =	swait.ge [sflag:s14], $0x7D00  }
0x20: {  	[sflag:s14] =	ssyncset.done $0x0  }
0x21: {  	v3 =	vor.u32 $0x2, v1;
	[sflag:s14] =	ssyncadd.s32 $0xFFFF8300  }
0x22: {  	v4 =	vld.idx.msk [tilespmem:v1+s13+$0x0], $0xffff  }
0x23: {  	v6 =	vor.u32 $0x3, v1;
	v5 =	vld.idx.msk [tilespmem:v1+s12+$0x0], $0xffff  }
0x24: {  	v7 =	vld.idx.msk [tilespmem:v2+s12+$0x0], $0xffff  }
0x25: {  	v8 =	vor.u32 $0x4, v1;
	v2 =	vld.idx.msk [tilespmem:v2+s13+$0x0], $0xffff  }
0x26: {  	v9 =	vld.idx.msk [tilespmem:v3+s12+$0x0], $0xffff  }
0x27: {  	v10 =	vor.u32 $0x5, v1;
	v3 =	vld.idx.msk [tilespmem:v3+s13+$0x0], $0xffff  }
0x28: {  	v11 =	vld.idx.msk [tilespmem:v6+s12+$0x0], $0xffff  }
0x29: {  	v12 =	vor.u32 $0x6, v1;
	v6 =	vld.idx.msk [tilespmem:v6+s13+$0x0], $0xffff  }
0x2a: {  	v13 =	vld.idx.msk [tilespmem:v8+s12+$0x0], $0xffff;
	v4 =	vadd.f32 v4, v5;
	v2 =	vadd.f32 v2, v7  }
0x2b: {  	v35 =	vor.u32 $0x7, v1;
	v34 =	vld.idx.msk [tilespmem:v8+s13+$0x0], $0xffff  }
0x2c: {  	v36 =	vld.idx.msk [tilespmem:v10+s12+$0x0], $0xffff;
	v3 =	vadd.f32 v3, v9;
	v4 =	vmul.f32 v4, v4;
	v2 =	vmul.f32 v2, v2  }
0x2d: {  	v37 =	vor.u32 $0x8, v1;
	v10 =	vld.idx.msk [tilespmem:v10+s13+$0x0], $0xffff  }
0x2e: {  	v14 =	vld.idx.msk [tilespmem:v12+s12+$0x0], $0xffff;
	v38 =	vadd.f32 v6, v11;
	v3 =	vmul.f32 v3, v3;
	v2 =	vadd.f32 v2, v4  }
0x2f: {  	v39 =	vor.u32 $0x9, v1;
	v40 =	vld.idx.msk [tilespmem:v12+s13+$0x0], $0xffff  }
0x30: {  	v41 =	vld.idx.msk [tilespmem:v35+s12+$0x0], $0xffff;
	v42 =	vadd.f32 v34, v13;
	v2 =	vadd.f32 v3, v2;
	v3 =	vmul.f32 v38, v38  }
0x31: {  	v43 =	vor.u32 $0xA, v1;
	v7 =	vld.idx.msk [tilespmem:v35+s13+$0x0], $0xffff  }
0x32: {  	v44 =	vld.idx.msk [tilespmem:v37+s12+$0x0], $0xffff;
	v45 =	vadd.f32 v10, v36;
	v2 =	vadd.f32 v3, v2;
	v3 =	vmul.f32 v42, v42  }
0x33: {  	v46 =	vor.u32 $0xB, v1;
	v9 =	vld.idx.msk [tilespmem:v37+s13+$0x0], $0xffff  }
0x34: {  	v47 =	vld.idx.msk [tilespmem:v39+s12+$0x0], $0xffff;
	v48 =	vadd.f32 v40, v14;
	v2 =	vadd.f32 v3, v2;
	v3 =	vmul.f32 v45, v45  }
0x35: {  	v49 =	vor.u32 $0xC, v1;
	v6 =	vld.idx.msk [tilespmem:v39+s13+$0x0], $0xffff  }
0x36: {  	v50 =	vld.idx.msk [tilespmem:v43+s12+$0x0], $0xffff;
	v51 =	vadd.f32 v7, v41;
	v2 =	vadd.f32 v3, v2;
	v3 =	vmul.f32 v48, v48  }
0x37: {  	v52 =	vor.u32 $0xD, v1;
	v5 =	vld.idx.msk [tilespmem:v43+s13+$0x0], $0xffff  }
0x38: {  	v53 =	vld.idx.msk [tilespmem:v46+s12+$0x0], $0xffff;
	v54 =	vadd.f32 v9, v44;
	v2 =	vadd.f32 v3, v2;
	v3 =	vmul.f32 v51, v51  }
0x39: {  	v55 =	vor.u32 $0xE, v1;
	v8 =	vld.idx.msk [tilespmem:v46+s13+$0x0], $0xffff  }
0x3a: {  	v56 =	vld.idx.msk [tilespmem:v49+s12+$0x0], $0xffff;
	v57 =	vadd.f32 v6, v47;
	v2 =	vadd.f32 v3, v2;
	v3 =	vmul.f32 v54, v54  }
0x3b: {  	v1 =	vor.u32 $0xF, v1;
	v58 =	vld.idx.msk [tilespmem:v49+s13+$0x0], $0xffff  }
0x3c: {  	v59 =	vld.idx.msk [tilespmem:v52+s12+$0x0], $0xffff;
	v60 =	vadd.f32 v5, v50;
	v2 =	vadd.f32 v3, v2;
	v3 =	vmul.f32 v57, v57  }
0x3d: {  	v61 =	vld.idx.msk [tilespmem:v52+s13+$0x0], $0xffff  }
0x3e: {  	v62 =	vld.idx.msk [tilespmem:v55+s12+$0x0], $0xffff;
	v63 =	vadd.f32 v8, v53;
	v2 =	vadd.f32 v3, v2;
	v3 =	vmul.f32 v60, v60  }
0x3f: {  	v12 =	vld.idx.msk [tilespmem:v55+s13+$0x0], $0xffff  }
0x40: {  	v14 =	vld.idx.msk [tilespmem:v1+s12+$0x0], $0xffff;
	v15 =	vadd.f32 v58, v56;
	v2 =	vadd.f32 v3, v2;
	v3 =	vmul.f32 v63, v63  }
0x41: {  	v1 =	vld.idx.msk [tilespmem:v1+s13+$0x0], $0xffff  }
0x42: {  	v16 =	vadd.f32 v61, v59;
	v2 =	vadd.f32 v3, v2;
	v3 =	vmul.f32 v15, v15;
	_ =	sdelay $0x1  }
0x43: {  	v17 =	vadd.f32 v12, v62;
	v2 =	vadd.f32 v3, v2;
	v3 =	vmul.f32 v16, v16;
	_ =	sdelay $0x1  }
0x44: {  	v1 =	vadd.f32 v1, v14;
	v2 =	vadd.f32 v3, v2;
	v3 =	vmul.f32 v17, v17;
	_ =	sdelay $0x1  }
0x45: {  	v1 =	vmul.f32 v1, v1;
	v2 =	vadd.f32 v3, v2;
	_ =	sdelay $0x1  }
0x46: {  	v1 =	vadd.f32 v1, v2;
	_ =	sdelay $0x1  }
0x47: {  	v1 =	vadd.f32 $-2.000000000e+00, v1;
	_ =	sdelay $0x1  }
0x48: {  	v1 =	vmax.f32 v1, $-5.000000000e+01  }
0x49: {  	v1 =	vmin.f32 v1, $5.000000000e+01  }
0x4a: {  	v1 =	vmul.f32 $1.442695020e+00, v1;
	_ =	sdelay $0x1  }
0x4b: {  	(erf) = vpow2.f32 v1;
	_ =	sdelay $0x8  }
0x4c: {  	v1 =	vpop (erf)  }
0x4d: {  	v1 =	vadd.f32 $1.000000000e+00, v1;
	_ =	sdelay $0x1  }
0x4e: {  	(erf) = vrcp.f32 v1;
	_ =	sdelay $0x2  }
0x4f: {  	s30 =	simm.s32 $0x10  }
0x50: {  	v1 =	vmov s30  }
0x51: {  	v1 =	vshll.u32 v1, $0x4  }
0x52: {  	v1 =	vor.u32 v0, v1;
	_ =	sdelay $0x1  }
0x53: {  	v2 =	vor.u32 $0x1, v1  }
0x54: {  	s19 =	simm.s32 $0x109A0;
	v3 =	vpop (erf)  }
0x55: {  	v18 =	vor.u32 $0x2, v1;
	[tilespmem:s19+$0x0] =	vst v3  }
0x56: {  	v3 =	vld.idx.msk [tilespmem:v1+s13+$0x0], $0xffff  }
0x57: {  	v20 =	vor.u32 $0x3, v1;
	v19 =	vld.idx.msk [tilespmem:v1+s12+$0x0], $0xffff  }
0x58: {  	v21 =	vld.idx.msk [tilespmem:v2+s12+$0x0], $0xffff  }
0x59: {  	v22 =	vor.u32 $0x4, v1;
	v2 =	vld.idx.msk [tilespmem:v2+s13+$0x0], $0xffff  }
0x5a: {  	v23 =	vld.idx.msk [tilespmem:v18+s12+$0x0], $0xffff  }
0x5b: {  	v24 =	vor.u32 $0x5, v1;
	v4 =	vld.idx.msk [tilespmem:v18+s13+$0x0], $0xffff  }
0x5c: {  	v25 =	vld.idx.msk [tilespmem:v20+s12+$0x0], $0xffff  }
0x5d: {  	v26 =	vor.u32 $0x6, v1;
	v6 =	vld.idx.msk [tilespmem:v20+s13+$0x0], $0xffff  }
0x5e: {  	v27 =	vld.idx.msk [tilespmem:v22+s12+$0x0], $0xffff;
	v3 =	vadd.f32 v3, v19;
	v2 =	vadd.f32 v2, v21  }
0x5f: {  	v29 =	vor.u32 $0x7, v1;
	v28 =	vld.idx.msk [tilespmem:v22+s13+$0x0], $0xffff  }
0x60: {  	v30 =	vld.idx.msk [tilespmem:v24+s12+$0x0], $0xffff;
	v4 =	vadd.f32 v4, v23;
	v3 =	vmul.f32 v3, v3;
	v2 =	vmul.f32 v2, v2  }
0x61: {  	v31 =	vor.u32 $0x8, v1;
	v10 =	vld.idx.msk [tilespmem:v24+s13+$0x0], $0xffff  }
0x62: {  	v32 =	vld.idx.msk [tilespmem:v26+s12+$0x0], $0xffff;
	v33 =	vadd.f32 v6, v25;
	v2 =	vadd.f32 v2, v3;
	v3 =	vmul.f32 v4, v4  }
0x63: {  	v34 =	vor.u32 $0x9, v1;
	v35 =	vld.idx.msk [tilespmem:v26+s13+$0x0], $0xffff  }
0x64: {  	v36 =	vld.idx.msk [tilespmem:v29+s12+$0x0], $0xffff;
	v37 =	vadd.f32 v28, v27;
	v2 =	vadd.f32 v3, v2;
	v3 =	vmul.f32 v33, v33  }
0x65: {  	v38 =	vor.u32 $0xA, v1;
	v7 =	vld.idx.msk [tilespmem:v29+s13+$0x0], $0xffff  }
0x66: {  	v39 =	vld.idx.msk [tilespmem:v31+s12+$0x0], $0xffff;
	v40 =	vadd.f32 v10, v30;
	v2 =	vadd.f32 v3, v2;
	v3 =	vmul.f32 v37, v37  }
0x67: {  	v41 =	vor.u32 $0xB, v1;
	v9 =	vld.idx.msk [tilespmem:v31+s13+$0x0], $0xffff  }
0x68: {  	v42 =	vld.idx.msk [tilespmem:v34+s12+$0x0], $0xffff;
	v43 =	vadd.f32 v35, v32;
	v2 =	vadd.f32 v3, v2;
	v3 =	vmul.f32 v40, v40  }
0x69: {  	v44 =	vor.u32 $0xC, v1;
	v6 =	vld.idx.msk [tilespmem:v34+s13+$0x0], $0xffff  }
0x6a: {  	v45 =	vld.idx.msk [tilespmem:v38+s12+$0x0], $0xffff;
	v46 =	vadd.f32 v7, v36;
	v2 =	vadd.f32 v3, v2;
	v3 =	vmul.f32 v43, v43  }
0x6b: {  	v47 =	vor.u32 $0xD, v1;
	v5 =	vld.idx.msk [tilespmem:v38+s13+$0x0], $0xffff  }
0x6c: {  	v48 =	vld.idx.msk [tilespmem:v41+s12+$0x0], $0xffff;
	v49 =	vadd.f32 v9, v39;
	v2 =	vadd.f32 v3, v2;
	v3 =	vmul.f32 v46, v46  }
0x6d: {  	v50 =	vor.u32 $0xE, v1;
	v8 =	vld.idx.msk [tilespmem:v41+s13+$0x0], $0xffff  }
0x6e: {  	v51 =	vld.idx.msk [tilespmem:v44+s12+$0x0], $0xffff;
	v52 =	vadd.f32 v6, v42;
	v2 =	vadd.f32 v3, v2;
	v3 =	vmul.f32 v49, v49  }
0x6f: {  	v1 =	vor.u32 $0xF, v1;
	v53 =	vld.idx.msk [tilespmem:v44+s13+$0x0], $0xffff  }
0x70: {  	v54 =	vld.idx.msk [tilespmem:v47+s12+$0x0], $0xffff;
	v55 =	vadd.f32 v5, v45;
	v2 =	vadd.f32 v3, v2;
	v3 =	vmul.f32 v52, v52  }
0x71: {  	v56 =	vld.idx.msk [tilespmem:v47+s13+$0x0], $0xffff  }
0x72: {  	v57 =	vld.idx.msk [tilespmem:v50+s12+$0x0], $0xffff;
	v58 =	vadd.f32 v8, v48;
	v2 =	vadd.f32 v3, v2;
	v3 =	vmul.f32 v55, v55  }
0x73: {  	v59 =	vld.idx.msk [tilespmem:v50+s13+$0x0], $0xffff  }
0x74: {  	v60 =	vld.idx.msk [tilespmem:v1+s12+$0x0], $0xffff;
	v61 =	vadd.f32 v53, v51;
	v2 =	vadd.f32 v3, v2;
	v3 =	vmul.f32 v58, v58  }
0x75: {  	v1 =	vld.idx.msk [tilespmem:v1+s13+$0x0], $0xffff  }
0x76: {  	v62 =	vadd.f32 v56, v54;
	v2 =	vadd.f32 v3, v2;
	v3 =	vmul.f32 v61, v61;
	_ =	sdelay $0x1  }
0x77: {  	v63 =	vadd.f32 v59, v57;
	v2 =	vadd.f32 v3, v2;
	v3 =	vmul.f32 v62, v62;
	_ =	sdelay $0x1  }
0x78: {  	v1 =	vadd.f32 v1, v60;
	v2 =	vadd.f32 v3, v2;
	v3 =	vmul.f32 v63, v63;
	_ =	sdelay $0x1  }
0x79: {  	v1 =	vmul.f32 v1, v1;
	v2 =	vadd.f32 v3, v2;
	_ =	sdelay $0x1  }
0x7a: {  	v1 =	vadd.f32 v1, v2;
	_ =	sdelay $0x1  }
0x7b: {  	v1 =	vadd.f32 $-2.000000000e+00, v1;
	_ =	sdelay $0x1  }
0x7c: {  	v1 =	vmax.f32 v1, $-5.000000000e+01  }
0x7d: {  	v1 =	vmin.f32 v1, $5.000000000e+01  }
0x7e: {  	v1 =	vmul.f32 $1.442695020e+00, v1;
	_ =	sdelay $0x1  }
0x7f: {  	(erf) = vpow2.f32 v1;
	_ =	sdelay $0x8  }
0x80: {  	v1 =	vpop (erf)  }
0x81: {  	v1 =	vadd.f32 $1.000000000e+00, v1;
	_ =	sdelay $0x1  }
0x82: {  	(erf) = vrcp.f32 v1;
	_ =	sdelay $0x2  }
0x83: {  	s31 =	simm.s32 $0x20  }
0x84: {  	v2 =	vmov s31  }
0x85: {  	v2 =	vshll.u32 v2, $0x4  }
0x86: {  	s20 =	simm.s32 $0x30;
	v1 =	vor.u32 v0, v2  }
.LBB2_3:
0x87: {  	p0 =	sne.s32 s20, $0x7C0  }
0x88: {  	v2 =	vor.u32 $0x1, v1  }
0x89: {  	s19 =	sadd.s32 $0x10, s19;
	v3 =	vpop (erf)  }
0x8a: {  	v4 =	vor.u32 $0x2, v1;
	[tilespmem:s19+$0x0] =	vst v3  }
0x8b: {  	v3 =	vld.idx.msk [tilespmem:v1+s13+$0x0], $0xffff  }
0x8c: {  	v6 =	vor.u32 $0x3, v1;
	v5 =	vld.idx.msk [tilespmem:v1+s12+$0x0], $0xffff  }
0x8d: {  	v7 =	vld.idx.msk [tilespmem:v2+s12+$0x0], $0xffff  }
0x8e: {  	v8 =	vor.u32 $0x4, v1;
	v2 =	vld.idx.msk [tilespmem:v2+s13+$0x0], $0xffff  }
0x8f: {  	v9 =	vld.idx.msk [tilespmem:v4+s12+$0x0], $0xffff  }
0x90: {  	v10 =	vor.u32 $0x5, v1;
	v4 =	vld.idx.msk [tilespmem:v4+s13+$0x0], $0xffff  }
0x91: {  	v11 =	vld.idx.msk [tilespmem:v6+s12+$0x0], $0xffff  }
0x92: {  	v12 =	vor.u32 $0x6, v1;
	v6 =	vld.idx.msk [tilespmem:v6+s13+$0x0], $0xffff  }
0x93: {  	v13 =	vld.idx.msk [tilespmem:v8+s12+$0x0], $0xffff  }
0x94: {  	v3 =	vadd.f32 v3, v5;
	v2 =	vadd.f32 v2, v7;
	v7 =	vor.u32 $0x7, v1;
	v5 =	vld.idx.msk [tilespmem:v8+s13+$0x0], $0xffff  }
0x95: {  	v14 =	vor.u32 $0x8, v1;
	v8 =	vld.idx.msk [tilespmem:v10+s12+$0x0], $0xffff  }
0x96: {  	v3 =	vmul.f32 v3, v3;
	v2 =	vmul.f32 v2, v2;
	v4 =	vadd.f32 v4, v9;
	v9 =	vld.idx.msk [tilespmem:v10+s13+$0x0], $0xffff  }
0x97: {  	v15 =	vor.u32 $0x9, v1;
	v10 =	vld.idx.msk [tilespmem:v12+s12+$0x0], $0xffff  }
0x98: {  	v2 =	vadd.f32 v2, v3;
	v3 =	vmul.f32 v4, v4;
	v4 =	vadd.f32 v6, v11;
	v6 =	vld.idx.msk [tilespmem:v12+s13+$0x0], $0xffff  }
0x99: {  	v12 =	vor.u32 $0xA, v1;
	v11 =	vld.idx.msk [tilespmem:v7+s12+$0x0], $0xffff  }
0x9a: {  	v2 =	vadd.f32 v3, v2;
	v3 =	vmul.f32 v4, v4;
	v4 =	vadd.f32 v5, v13;
	v5 =	vld.idx.msk [tilespmem:v7+s13+$0x0], $0xffff  }
0x9b: {  	v13 =	vor.u32 $0xB, v1;
	v7 =	vld.idx.msk [tilespmem:v14+s12+$0x0], $0xffff  }
0x9c: {  	v2 =	vadd.f32 v3, v2;
	v3 =	vmul.f32 v4, v4;
	v4 =	vadd.f32 v9, v8;
	v8 =	vld.idx.msk [tilespmem:v14+s13+$0x0], $0xffff  }
0x9d: {  	v14 =	vor.u32 $0xC, v1;
	v9 =	vld.idx.msk [tilespmem:v15+s12+$0x0], $0xffff  }
0x9e: {  	v2 =	vadd.f32 v3, v2;
	v3 =	vmul.f32 v4, v4;
	v4 =	vadd.f32 v6, v10;
	v6 =	vld.idx.msk [tilespmem:v15+s13+$0x0], $0xffff  }
0x9f: {  	v15 =	vor.u32 $0xD, v1;
	v10 =	vld.idx.msk [tilespmem:v12+s12+$0x0], $0xffff  }
0xa0: {  	v2 =	vadd.f32 v3, v2;
	v3 =	vmul.f32 v4, v4;
	v4 =	vadd.f32 v5, v11;
	v5 =	vld.idx.msk [tilespmem:v12+s13+$0x0], $0xffff  }
0xa1: {  	v12 =	vor.u32 $0xE, v1;
	v11 =	vld.idx.msk [tilespmem:v13+s12+$0x0], $0xffff  }
0xa2: {  	v2 =	vadd.f32 v3, v2;
	v3 =	vmul.f32 v4, v4;
	v4 =	vadd.f32 v8, v7;
	v7 =	vld.idx.msk [tilespmem:v13+s13+$0x0], $0xffff  }
0xa3: {  	v1 =	vor.u32 $0xF, v1;
	v8 =	vld.idx.msk [tilespmem:v14+s12+$0x0], $0xffff  }
0xa4: {  	v2 =	vadd.f32 v3, v2;
	v3 =	vmul.f32 v4, v4;
	v4 =	vadd.f32 v6, v9;
	v6 =	vld.idx.msk [tilespmem:v14+s13+$0x0], $0xffff  }
0xa5: {  	v9 =	vld.idx.msk [tilespmem:v15+s12+$0x0], $0xffff  }
0xa6: {  	v2 =	vadd.f32 v3, v2;
	v3 =	vmul.f32 v4, v4;
	v4 =	vadd.f32 v5, v10;
	v5 =	vld.idx.msk [tilespmem:v15+s13+$0x0], $0xffff  }
0xa7: {  	v10 =	vld.idx.msk [tilespmem:v12+s12+$0x0], $0xffff  }
0xa8: {  	v2 =	vadd.f32 v3, v2;
	v3 =	vmul.f32 v4, v4;
	v4 =	vadd.f32 v7, v11;
	v7 =	vld.idx.msk [tilespmem:v12+s13+$0x0], $0xffff  }
0xa9: {  	v11 =	vld.idx.msk [tilespmem:v1+s12+$0x0], $0xffff  }
0xaa: {  	v2 =	vadd.f32 v3, v2;
	v3 =	vmul.f32 v4, v4;
	v4 =	vadd.f32 v6, v8;
	v1 =	vld.idx.msk [tilespmem:v1+s13+$0x0], $0xffff;
	_ =	sdelay $0x1  }
0xab: {  	v2 =	vadd.f32 v3, v2;
	v3 =	vmul.f32 v4, v4;
	v4 =	vadd.f32 v5, v9;
	_ =	sdelay $0x1  }
0xac: {  	v2 =	vadd.f32 v3, v2;
	v3 =	vmul.f32 v4, v4;
	v4 =	vadd.f32 v7, v10;
	_ =	sdelay $0x1  }
0xad: {  	v2 =	vadd.f32 v3, v2;
	v3 =	vmul.f32 v4, v4;
	v1 =	vadd.f32 v1, v11;
	_ =	sdelay $0x1  }
0xae: {  	v2 =	vadd.f32 v3, v2;
	v1 =	vmul.f32 v1, v1;
	_ =	sdelay $0x1  }
0xaf: {  	v1 =	vadd.f32 v1, v2;
	_ =	sdelay $0x1  }
0xb0: {  	v1 =	vadd.f32 $-2.000000000e+00, v1;
	_ =	sdelay $0x1  }
0xb1: {  	v1 =	vmax.f32 v1, $-5.000000000e+01  }
0xb2: {  	v1 =	vmin.f32 v1, $5.000000000e+01  }
0xb3: {  	v1 =	vmul.f32 $1.442695020e+00, v1;
	_ =	sdelay $0x1  }
0xb4: {  	(erf) = vpow2.f32 v1;
	_ =	sdelay $0x8  }
0xb5: {  	v1 =	vpop (erf)  }
0xb6: {  	v1 =	vadd.f32 $1.000000000e+00, v1;
	_ =	sdelay $0x1  }
0xb7: {  	(erf) = vrcp.f32 v1;
	_ =	sdelay $0x1  }
.Ltmp0:
0xb8: {  	(pc) =	sbr.rel @p0 .LBB2_3-.Ltmp0, $4  }
0xb9: {  	_ = 	snop  }
0xba: {  	v1 =	vmov s20  }
0xbb: {  	v1 =	vshll.u32 v1, $0x4  }
0xbc: {  	s20 =	sadd.s32 $0x10, s20;
	v1 =	vor.u32 v0, v1  }
0xbd: {  	_ = 	snop  }
0xbe: {  	v2 =	vor.u32 $0x1, v1  }
0xbf: {  	s19 =	sadd.s32 $0x10, s19;
	v3 =	vpop (erf)  }
0xc0: {  	v4 =	vor.u32 $0x2, v1;
	[tilespmem:s19+$0x0] =	vst v3  }
0xc1: {  	v3 =	vld.idx.msk [tilespmem:v1+s13+$0x0], $0xffff  }
0xc2: {  	v6 =	vor.u32 $0x3, v1;
	v5 =	vld.idx.msk [tilespmem:v1+s12+$0x0], $0xffff  }
0xc3: {  	v7 =	vld.idx.msk [tilespmem:v2+s12+$0x0], $0xffff  }
0xc4: {  	v8 =	vor.u32 $0x4, v1;
	v2 =	vld.idx.msk [tilespmem:v2+s13+$0x0], $0xffff  }
0xc5: {  	v9 =	vld.idx.msk [tilespmem:v4+s12+$0x0], $0xffff  }
0xc6: {  	v10 =	vor.u32 $0x5, v1;
	v4 =	vld.idx.msk [tilespmem:v4+s13+$0x0], $0xffff  }
0xc7: {  	v11 =	vld.idx.msk [tilespmem:v6+s12+$0x0], $0xffff  }
0xc8: {  	v12 =	vor.u32 $0x6, v1;
	v6 =	vld.idx.msk [tilespmem:v6+s13+$0x0], $0xffff  }
0xc9: {  	v13 =	vld.idx.msk [tilespmem:v8+s12+$0x0], $0xffff;
	v3 =	vadd.f32 v3, v5;
	v2 =	vadd.f32 v2, v7  }
0xca: {  	v30 =	vor.u32 $0x7, v1;
	v29 =	vld.idx.msk [tilespmem:v8+s13+$0x0], $0xffff  }
0xcb: {  	v31 =	vld.idx.msk [tilespmem:v10+s12+$0x0], $0xffff;
	v4 =	vadd.f32 v4, v9;
	v3 =	vmul.f32 v3, v3;
	v2 =	vmul.f32 v2, v2  }
0xcc: {  	v32 =	vor.u32 $0x8, v1;
	v10 =	vld.idx.msk [tilespmem:v10+s13+$0x0], $0xffff  }
0xcd: {  	v14 =	vld.idx.msk [tilespmem:v12+s12+$0x0], $0xffff;
	v33 =	vadd.f32 v6, v11;
	v2 =	vadd.f32 v2, v3;
	v3 =	vmul.f32 v4, v4  }
0xce: {  	v34 =	vor.u32 $0x9, v1;
	v35 =	vld.idx.msk [tilespmem:v12+s13+$0x0], $0xffff  }
0xcf: {  	v36 =	vld.idx.msk [tilespmem:v30+s12+$0x0], $0xffff;
	v37 =	vadd.f32 v29, v13;
	v2 =	vadd.f32 v3, v2;
	v3 =	vmul.f32 v33, v33  }
0xd0: {  	v38 =	vor.u32 $0xA, v1;
	v7 =	vld.idx.msk [tilespmem:v30+s13+$0x0], $0xffff  }
0xd1: {  	v39 =	vld.idx.msk [tilespmem:v32+s12+$0x0], $0xffff;
	v40 =	vadd.f32 v10, v31;
	v2 =	vadd.f32 v3, v2;
	v3 =	vmul.f32 v37, v37  }
0xd2: {  	v41 =	vor.u32 $0xB, v1;
	v9 =	vld.idx.msk [tilespmem:v32+s13+$0x0], $0xffff  }
0xd3: {  	v42 =	vld.idx.msk [tilespmem:v34+s12+$0x0], $0xffff;
	v43 =	vadd.f32 v35, v14;
	v2 =	vadd.f32 v3, v2;
	v3 =	vmul.f32 v40, v40  }
0xd4: {  	v44 =	vor.u32 $0xC, v1;
	v6 =	vld.idx.msk [tilespmem:v34+s13+$0x0], $0xffff  }
0xd5: {  	v45 =	vld.idx.msk [tilespmem:v38+s12+$0x0], $0xffff;
	v46 =	vadd.f32 v7, v36;
	v2 =	vadd.f32 v3, v2;
	v3 =	vmul.f32 v43, v43  }
0xd6: {  	v47 =	vor.u32 $0xD, v1;
	v5 =	vld.idx.msk [tilespmem:v38+s13+$0x0], $0xffff  }
0xd7: {  	v48 =	vld.idx.msk [tilespmem:v41+s12+$0x0], $0xffff;
	v49 =	vadd.f32 v9, v39;
	v2 =	vadd.f32 v3, v2;
	v3 =	vmul.f32 v46, v46  }
0xd8: {  	v50 =	vor.u32 $0xE, v1;
	v8 =	vld.idx.msk [tilespmem:v41+s13+$0x0], $0xffff  }
0xd9: {  	v51 =	vld.idx.msk [tilespmem:v44+s12+$0x0], $0xffff;
	v52 =	vadd.f32 v6, v42;
	v2 =	vadd.f32 v3, v2;
	v3 =	vmul.f32 v49, v49  }
0xda: {  	v1 =	vor.u32 $0xF, v1;
	v53 =	vld.idx.msk [tilespmem:v44+s13+$0x0], $0xffff  }
0xdb: {  	v54 =	vld.idx.msk [tilespmem:v47+s12+$0x0], $0xffff;
	v55 =	vadd.f32 v5, v45;
	v2 =	vadd.f32 v3, v2;
	v3 =	vmul.f32 v52, v52  }
0xdc: {  	v56 =	vld.idx.msk [tilespmem:v47+s13+$0x0], $0xffff  }
0xdd: {  	v57 =	vld.idx.msk [tilespmem:v50+s12+$0x0], $0xffff;
	v58 =	vadd.f32 v8, v48;
	v2 =	vadd.f32 v3, v2;
	v3 =	vmul.f32 v55, v55  }
0xde: {  	v59 =	vld.idx.msk [tilespmem:v50+s13+$0x0], $0xffff  }
0xdf: {  	v60 =	vld.idx.msk [tilespmem:v1+s12+$0x0], $0xffff;
	v61 =	vadd.f32 v53, v51;
	v2 =	vadd.f32 v3, v2;
	v3 =	vmul.f32 v58, v58  }
0xe0: {  	v1 =	vld.idx.msk [tilespmem:v1+s13+$0x0], $0xffff  }
0xe1: {  	v62 =	vadd.f32 v56, v54;
	v2 =	vadd.f32 v3, v2;
	v3 =	vmul.f32 v61, v61;
	_ =	sdelay $0x1  }
0xe2: {  	v63 =	vadd.f32 v59, v57;
	v2 =	vadd.f32 v3, v2;
	v3 =	vmul.f32 v62, v62;
	_ =	sdelay $0x1  }
0xe3: {  	v1 =	vadd.f32 v1, v60;
	v2 =	vadd.f32 v3, v2;
	v3 =	vmul.f32 v63, v63;
	_ =	sdelay $0x1  }
0xe4: {  	v1 =	vmul.f32 v1, v1;
	v2 =	vadd.f32 v3, v2;
	_ =	sdelay $0x1  }
0xe5: {  	v1 =	vadd.f32 v1, v2;
	_ =	sdelay $0x1  }
0xe6: {  	v1 =	vadd.f32 $-2.000000000e+00, v1;
	_ =	sdelay $0x1  }
0xe7: {  	v1 =	vmax.f32 v1, $-5.000000000e+01  }
0xe8: {  	v1 =	vmin.f32 v1, $5.000000000e+01  }
0xe9: {  	v1 =	vmul.f32 $1.442695020e+00, v1;
	_ =	sdelay $0x1  }
0xea: {  	(erf) = vpow2.f32 v1;
	_ =	sdelay $0x8  }
0xeb: {  	v1 =	vpop (erf)  }
0xec: {  	v1 =	vadd.f32 $1.000000000e+00, v1;
	_ =	sdelay $0x1  }
0xed: {  	(erf) = vrcp.f32 v1;
	_ =	sdelay $0x7  }
0xee: {  	s17 =	sadd.s32 $0x1, s17  }
0xef: {  	p0 =	sne.s32 s17, $0x32;
	s19 =	sadd.s32 $0x10, s19;
	v1 =	vpop (erf)  }
.Ltmp1:
0xf0: {  	s18 =	sadd.s32 s1, s18;
	[tilespmem:s19+$0x0] =	vst v1;
	(pc) =	sbr.rel @p0 .LBB2_2-.Ltmp1, $4  }
0xf1: {  	[hbm4b:s18+s2] =	stream.linear.scatter [tilespmem:s15], [sflag:$0x2], $0x7D0, $0x38;
	[tilespmem:$0x11170] =	vst v63  }
0xf2: {  	_ =	swait.ge [sflag:s10], $0x7D0  }
0xf3: {  	[sflag:s10] =	ssyncset.done $0x0  }
0xf4: {  	[sflag:s10] =	ssyncadd.s32 $0xFFFFF830  }
0xf5: {  	s16 =	sadd.s32 $0x1, s16  }
0xf6: {  	p0 =	sne.s32 s16, s9  }
.Ltmp2:
0xf7: {  	_ = 	snop;
	(pc) =	sbr.rel @p0 .LBB2_1-.Ltmp2, $1  }
0xf8: {  	_ =	sdelay $0x3  }
0xf9: {  	_ =	sfence.sel $0x180000  }
0xfa: {  	[bflag:$0x0] =	sbarrier.arrive $0xFFFF  }
0xfb: {  	p0 =	sne.s32 s3, $0x0;
	_ =	strace $0x90000047  }
0xfc: {  	s0 =	sadd.s32 @!p0 $0x100000, s0;
	[bflag:$0x2] =	sbarrier.arrive $0xFFFF  }
0xfd: {  	[sflag:s0] =	ssyncadd.tile.s32 @!p0 $0x1;
	_ =	shalt  }
.Lfunc_end2:
_tile_overlayer_lowered:
.L_overlay_start_2:
0xfe: {  	(tag) =	ssettag $0x2  }
0xff: {  	s0 =	rddreg [dreg:$0x0];
	s2 =	stileid.u32  }
0x100: {  	s1 =	rddreg [dreg:$0x1];
	p0 =	sne.s32 s2, $0x0  }
0x101: {  	s3 =	rddreg [dreg:$0x2];
	[bflag:$0x3] =	sbarrier.arrive $0xFFFF;
	s2 =	simm.s32 @!p0 $0x1C02  }
0x102: {  	[timem:s3], [sflag:s2] =	dma.local @!p0 [hbm:s0], s1  }
0x103: {  	s0 =	simm.s32 @!p0 $0x2  }
0x104: {  	_ =	swait.ge @!p0 [sflag:s0], s1  }
0x105: {  	s1 =	ssub.s32 @!p0 $0x0, s1;
	[sflag:s0] =	ssyncset.done @!p0 $0x0  }
0x106: {  	[sflag:s0] =	ssyncadd.s32 @!p0 s1  }
0x107: {  	[bflag:$0x3] =	sbarrier.arrive $0xFFFF  }
0x108: {  	_ =	shalt  }

</sc_bundles>
